<compile_context>
chip_gen: v7x
topology: tpu7x:2x2x1
jax: 0.10.2.dev20260603
libtpu: 0.0.44.dev20260713+nightly
codegen_flags: <defaults>
</compile_context>

<pallas_src>
import functools

import jax
import jax.numpy as jnp
from jax import lax
from jax.experimental import pallas as pl
from jax.experimental.pallas import tpu as pltpu
from jax.experimental.pallas import tpu_sc as plsc

_B, _T, _IN = 8, 512, 80
_H, _K, _D = 512, 1024, 512


def _mm(a, b):
    return lax.dot_general(a, b, (((1,), (0,)), ((), ())),
                           preferred_element_type=jnp.float32)


def _imcol(x):
    zrow = jnp.zeros((1, x.shape[1]), jnp.float32)
    xm = jnp.concatenate([zrow, x[:-1]], axis=0)
    xp = jnp.concatenate([x[1:], zrow], axis=0)
    return jnp.concatenate([xm, x, xp], axis=1)


def _enc_body(x_ref, w1_ref, b1_ref, w2_ref, b2_ref, ct_ref, idx_ref):
    x = x_ref[0]
    z1 = jnp.maximum(_mm(_imcol(x), w1_ref[...]) + b1_ref[...], 0.0)
    z2 = _mm(_imcol(z1), w2_ref[...]) + b2_ref[...]
    ct = ct_ref[...]
    dot = _mm(z2, ct)
    csq = jnp.sum(ct * ct, axis=0, keepdims=True)
    d = csq - 2.0 * dot
    m = jnp.min(d, axis=1, keepdims=True)
    cols = lax.broadcasted_iota(jnp.int32, d.shape, 1)
    idx = jnp.min(jnp.where(d == m, cols, _K), axis=1).astype(jnp.int32)
    idx_ref[...] = idx.reshape(1, 1, _T)


def _dec_body(q_ref, w3_ref, b3_ref, w4_ref, b4_ref, out_ref):
    q = q_ref[0]
    z = jnp.maximum(_mm(_imcol(q), w3_ref[...]) + b3_ref[...], 0.0)
    r = _mm(_imcol(z), w4_ref[...]) + b4_ref[...]
    out_ref[...] = r.reshape(1, _T, _IN)


_TC_PARAMS = pltpu.CompilerParams(dimension_semantics=("parallel",))


def _encode(mels, w1k, b1r, w2k, b2r, ct):
    return pl.pallas_call(
        _enc_body,
        grid=(_B,),
        in_specs=[
            pl.BlockSpec((1, _T, _IN), lambda b: (b, 0, 0)),
            pl.BlockSpec((3 * _IN, _H), lambda b: (0, 0)),
            pl.BlockSpec((1, _H), lambda b: (0, 0)),
            pl.BlockSpec((3 * _H, _D), lambda b: (0, 0)),
            pl.BlockSpec((1, _D), lambda b: (0, 0)),
            pl.BlockSpec((_D, _K), lambda b: (0, 0)),
        ],
        out_specs=pl.BlockSpec((1, 1, _T), lambda b: (b, 0, 0)),
        out_shape=jax.ShapeDtypeStruct((_B, 1, _T), jnp.int32),
        compiler_params=_TC_PARAMS,
    )(mels, w1k, b1r, w2k, b2r, ct)


def _decode(quant, w3k, b3r, w4k, b4r):
    return pl.pallas_call(
        _dec_body,
        grid=(_B,),
        in_specs=[
            pl.BlockSpec((1, _T, _D), lambda b: (b, 0, 0)),
            pl.BlockSpec((3 * _D, _H), lambda b: (0, 0)),
            pl.BlockSpec((1, _H), lambda b: (0, 0)),
            pl.BlockSpec((3 * _H, _IN), lambda b: (0, 0)),
            pl.BlockSpec((1, _IN), lambda b: (0, 0)),
        ],
        out_specs=pl.BlockSpec((1, _T, _IN), lambda b: (b, 0, 0)),
        out_shape=jax.ShapeDtypeStruct((_B, _T, _IN), jnp.float32),
        compiler_params=_TC_PARAMS,
    )(quant, w3k, b3r, w4k, b4r)


_NC, _NS = 2, 16
_NW = _NC * _NS
_BPW = (_B * _T) // _NW


_NBUF = 4
_CH = _BPW // _NBUF


def _sc_gather(codebook, idx_flat):
    mesh = plsc.VectorSubcoreMesh(core_axis_name="c", subcore_axis_name="s")

    @functools.partial(
        pl.kernel,
        mesh=mesh,
        out_type=jax.ShapeDtypeStruct((_B * _T, _D), jnp.float32),
        scratch_types=(
            [pltpu.VMEM((_BPW,), jnp.int32)]
            + [pltpu.VMEM((_CH, _D), jnp.float32) for _ in range(_NBUF)]
            + [pltpu.SemaphoreType.DMA for _ in range(2 * _NBUF)]
        ),
    )
    def k(table_hbm, idx_hbm, out_hbm, idx_v, *rest):
        bufs = rest[:_NBUF]
        gsems = rest[_NBUF:2 * _NBUF]
        wsems = rest[2 * _NBUF:]
        wid = lax.axis_index("s") * _NC + lax.axis_index("c")
        base = wid * _BPW
        pltpu.sync_copy(idx_hbm.at[pl.ds(base, _BPW)], idx_v)
        gathers = [
            pltpu.async_copy(table_hbm.at[idx_v.at[pl.ds(c * _CH, _CH)]],
                             bufs[c], gsems[c])
            for c in range(_NBUF)
        ]
        writes = []
        for c in range(_NBUF):
            gathers[c].wait()
            writes.append(pltpu.async_copy(
                bufs[c], out_hbm.at[pl.ds(base + c * _CH, _CH)], wsems[c]))
        for w in writes:
            w.wait()

    return k(codebook, idx_flat)


def kernel(mels, W1, b1, W2, b2, codebook, W3, b3, W4, b4):
    w1k = jnp.transpose(W1, (2, 1, 0)).reshape(3 * _IN, _H)
    w2k = jnp.transpose(W2, (2, 1, 0)).reshape(3 * _H, _D)
    w3k = jnp.transpose(W3, (2, 1, 0)).reshape(3 * _D, _H)
    w4k = jnp.transpose(W4, (2, 1, 0)).reshape(3 * _H, _IN)
    ct = jnp.transpose(codebook)

    idx3 = _encode(mels, w1k, b1.reshape(1, _H), w2k, b2.reshape(1, _D), ct)
    idx = idx3.reshape(_B, _T)
    quant = _sc_gather(codebook, idx.reshape(-1))
    recon = _decode(quant.reshape(_B, _T, _D), w3k, b3.reshape(1, _H),
                    w4k, b4.reshape(1, _IN))
    return (recon, idx)

# --- scband reference (transcript-rebuilt; emitter-appended) ---
"""Pipeline reference for scband-simple-vqvae-27212912787878 (READ-ONLY COPY).

The authoritative reference and input builder live on the scoring server;
editing this copy changes nothing except your own understanding.
"""

import jax, jax.numpy as jnp
import numpy as np

B, T, IN_DIM = 8, 512, 80
HIDDEN, K, CODE_DIM = 512, 1024, 512


def conv1d(x, w, b):
    # x: [B, C_in, T], w: [C_out, C_in, 3], padding=1
    out = jax.lax.conv_general_dilated(
        x, w, window_strides=(1,), padding=((1, 1),),
        dimension_numbers=('NCH', 'OIH', 'NCH'))
    return out + b[None, :, None]


def setup_inputs(seed: int = 0) -> dict:
    key = jax.random.key(seed)
    ks = jax.random.split(key, 8)
    mels = jax.random.normal(ks[0], (B, T, IN_DIM), dtype=jnp.float32)
    W1 = jax.random.normal(ks[1], (HIDDEN, IN_DIM, 3), dtype=jnp.float32) * np.float32(1.0 / np.sqrt(IN_DIM * 3))
    b1 = jnp.zeros((HIDDEN,), dtype=jnp.float32)
    W2 = jax.random.normal(ks[2], (CODE_DIM, HIDDEN, 3), dtype=jnp.float32) * np.float32(1.0 / np.sqrt(HIDDEN * 3))
    b2 = jnp.zeros((CODE_DIM,), dtype=jnp.float32)
    codebook = jax.random.normal(ks[3], (K, CODE_DIM), dtype=jnp.float32)
    W3 = jax.random.normal(ks[4], (HIDDEN, CODE_DIM, 3), dtype=jnp.float32) * np.float32(1.0 / np.sqrt(CODE_DIM * 3))
    b3 = jnp.zeros((HIDDEN,), dtype=jnp.float32)
    W4 = jax.random.normal(ks[5], (IN_DIM, HIDDEN, 3), dtype=jnp.float32) * np.float32(1.0 / np.sqrt(HIDDEN * 3))
    b4 = jnp.zeros((IN_DIM,), dtype=jnp.float32)
    return {'mels': mels, 'W1': W1, 'b1': b1, 'W2': W2, 'b2': b2,
            'codebook': codebook, 'W3': W3, 'b3': b3, 'W4': W4, 'b4': b4}


def reference(mels, W1, b1, W2, b2, codebook, W3, b3, W4, b4):
    # encoder
    x = jnp.transpose(mels, (0, 2, 1))  # [B, in_dim, T]
    z = conv1d(x, W1, b1)
    z = jax.nn.relu(z)
    z = conv1d(z, W2, b2)  # [B, code_dim, T]
    # vector quantization
    z_t = jnp.transpose(z, (0, 2, 1))  # [B, T, code_dim]
    flat = z_t.reshape(-1, CODE_DIM)
    d = (flat ** 2).sum(1, keepdims=True) - 2.0 * flat @ codebook.T + (codebook.T ** 2).sum(0, keepdims=True)
    idx = jnp.argmin(d, axis=1)
    idx = idx.reshape(z_t.shape[0], z_t.shape[1])  # [B, T]
    quantized = codebook[idx]  # [B, T, code_dim] gather
    # decoder
    q = jnp.transpose(quantized, (0, 2, 1))  # [B, code_dim, T]
    r = conv1d(q, W3, b3)
    r = jax.nn.relu(r)
    r = conv1d(r, W4, b4)  # [B, in_dim, T]
    recon = jnp.transpose(r, (0, 2, 1))  # [B, T, in_dim]
    return (recon, idx)

if __name__ == "__main__":
    import jax
    _d = setup_inputs()
    print(jax.jit(kernel)(*tuple(_d.values())))

</pallas_src>

<mosaic_0001>
#map = affine_map<(d0, d1) -> (0, 0)>
#map1 = affine_map<(d0, d1) -> (0)>
module attributes {stable_mosaic.version = 14 : i64} {
  func.func @k(%arg0: i32, %arg1: i32, %arg2: memref<1024x512xf32, #tpu.memory_space<hbm>>, %arg3: memref<4096xi32, #tpu.memory_space<hbm>>, %arg4: memref<4096x512xf32, #tpu.memory_space<hbm>>, %arg5: memref<128xi32, #tpu.memory_space<vmem>>, %arg6: memref<32x512xf32, #tpu.memory_space<vmem>>, %arg7: memref<32x512xf32, #tpu.memory_space<vmem>>, %arg8: memref<32x512xf32, #tpu.memory_space<vmem>>, %arg9: memref<32x512xf32, #tpu.memory_space<vmem>>, %arg10: memref<!tpu.dma_semaphore, #tpu.memory_space<semaphore_mem>>, %arg11: memref<!tpu.dma_semaphore, #tpu.memory_space<semaphore_mem>>, %arg12: memref<!tpu.dma_semaphore, #tpu.memory_space<semaphore_mem>>, %arg13: memref<!tpu.dma_semaphore, #tpu.memory_space<semaphore_mem>>, %arg14: memref<!tpu.dma_semaphore, #tpu.memory_space<semaphore_mem>>, %arg15: memref<!tpu.dma_semaphore, #tpu.memory_space<semaphore_mem>>, %arg16: memref<!tpu.dma_semaphore, #tpu.memory_space<semaphore_mem>>, %arg17: memref<!tpu.dma_semaphore, #tpu.memory_space<semaphore_mem>>) attributes {dimension_semantics = [#tpu.dimension_semantics<core_parallel>, #tpu.dimension_semantics<subcore_parallel>], iteration_bounds = array<i64: 2, 16>, scalar_prefetch = 0 : i64, scratch_operands = 13 : i64, tpu.core_type = #tpu.core_type<sc_vector_subcore>, window_params = [{transform_indices = #map}, {transform_indices = #map1}, {transform_indices = #map}]} {
    %mul3A = arith.constant 2 : i32
    %mul3A_0 = arith.muli %arg1, %mul3A : i32
    %add3A = arith.addi %mul3A_0, %arg0 : i32
    %mul3A_1 = arith.constant 128 : i32
    %mul3A_2 = arith.muli %add3A, %mul3A_1 : i32
    "tpu.region"() ({
      %run_scoped3A = tpu.sem_alloc : memref<!tpu.dma_semaphore, #tpu.memory_space<semaphore_mem>>
      %dma_start3A_81 = tpu.memref_slice %arg3[%mul3A_2] : memref<4096xi32, #tpu.memory_space<hbm>> -> memref<128xi32, #tpu.memory_space<hbm>>
      %dma_start3A_82 = tpu.memref_slice %arg3[%mul3A_2] : memref<4096xi32, #tpu.memory_space<hbm>> -> memref<128xi32, #tpu.memory_space<hbm>>
      tpu.enqueue_dma source(%dma_start3A_82 : memref<128xi32, #tpu.memory_space<hbm>>) target(%arg5 : memref<128xi32, #tpu.memory_space<vmem>>) target_semaphore(%run_scoped3A : memref<!tpu.dma_semaphore, #tpu.memory_space<semaphore_mem>>)
      %dma_wait3A_83 = tpu.memref_slice %arg3[%mul3A_2] : memref<4096xi32, #tpu.memory_space<hbm>> -> memref<128xi32, #tpu.memory_space<hbm>>
      %dma_wait3A_84 = tpu.memref_slice %arg3[%mul3A_2] : memref<4096xi32, #tpu.memory_space<hbm>> -> memref<128xi32, #tpu.memory_space<hbm>>
      tpu.wait_dma2 semaphore(%run_scoped3A : memref<!tpu.dma_semaphore, #tpu.memory_space<semaphore_mem>>) src(%dma_wait3A_84 : memref<128xi32, #tpu.memory_space<hbm>>) dst(%arg5 : memref<128xi32, #tpu.memory_space<vmem>>)
      tpu.yield
    }) : () -> ()
    %dma_start3A = arith.constant 0 : i32
    %dma_start3A_3 = tpu.memref_slice %arg5[%dma_start3A] : memref<128xi32, #tpu.memory_space<vmem>> -> memref<32xi32, #tpu.memory_space<vmem>>
    %dma_start3A_4 = arith.constant 0 : i32
    %dma_start3A_5 = arith.constant 0 : i32
    %dma_start3A_6 = tpu.memref_slice %arg2[%dma_start3A_4, %dma_start3A_5] : memref<1024x512xf32, #tpu.memory_space<hbm>> -> memref<1024x512xf32, #tpu.memory_space<hbm>>
    tpu.enqueue_indirect_dma source(%dma_start3A_6 : memref<1024x512xf32, #tpu.memory_space<hbm>>) target(%arg6 : memref<32x512xf32, #tpu.memory_space<vmem>>) offsets(%dma_start3A_3 : memref<32xi32, #tpu.memory_space<vmem>>) semaphore(%arg10 : memref<!tpu.dma_semaphore, #tpu.memory_space<semaphore_mem>>)
    %dma_start3A_7 = arith.constant 32 : i32
    %dma_start3A_8 = tpu.memref_slice %arg5[%dma_start3A_7] : memref<128xi32, #tpu.memory_space<vmem>> -> memref<32xi32, #tpu.memory_space<vmem>>
    %dma_start3A_9 = arith.constant 0 : i32
    %dma_start3A_10 = arith.constant 0 : i32
    %dma_start3A_11 = tpu.memref_slice %arg2[%dma_start3A_9, %dma_start3A_10] : memref<1024x512xf32, #tpu.memory_space<hbm>> -> memref<1024x512xf32, #tpu.memory_space<hbm>>
    tpu.enqueue_indirect_dma source(%dma_start3A_11 : memref<1024x512xf32, #tpu.memory_space<hbm>>) target(%arg7 : memref<32x512xf32, #tpu.memory_space<vmem>>) offsets(%dma_start3A_8 : memref<32xi32, #tpu.memory_space<vmem>>) semaphore(%arg11 : memref<!tpu.dma_semaphore, #tpu.memory_space<semaphore_mem>>)
    %dma_start3A_12 = arith.constant 64 : i32
    %dma_start3A_13 = tpu.memref_slice %arg5[%dma_start3A_12] : memref<128xi32, #tpu.memory_space<vmem>> -> memref<32xi32, #tpu.memory_space<vmem>>
    %dma_start3A_14 = arith.constant 0 : i32
    %dma_start3A_15 = arith.constant 0 : i32
    %dma_start3A_16 = tpu.memref_slice %arg2[%dma_start3A_14, %dma_start3A_15] : memref<1024x512xf32, #tpu.memory_space<hbm>> -> memref<1024x512xf32, #tpu.memory_space<hbm>>
    tpu.enqueue_indirect_dma source(%dma_start3A_16 : memref<1024x512xf32, #tpu.memory_space<hbm>>) target(%arg8 : memref<32x512xf32, #tpu.memory_space<vmem>>) offsets(%dma_start3A_13 : memref<32xi32, #tpu.memory_space<vmem>>) semaphore(%arg12 : memref<!tpu.dma_semaphore, #tpu.memory_space<semaphore_mem>>)
    %dma_start3A_17 = arith.constant 96 : i32
    %dma_start3A_18 = tpu.memref_slice %arg5[%dma_start3A_17] : memref<128xi32, #tpu.memory_space<vmem>> -> memref<32xi32, #tpu.memory_space<vmem>>
    %dma_start3A_19 = arith.constant 0 : i32
    %dma_start3A_20 = arith.constant 0 : i32
    %dma_start3A_21 = tpu.memref_slice %arg2[%dma_start3A_19, %dma_start3A_20] : memref<1024x512xf32, #tpu.memory_space<hbm>> -> memref<1024x512xf32, #tpu.memory_space<hbm>>
    tpu.enqueue_indirect_dma source(%dma_start3A_21 : memref<1024x512xf32, #tpu.memory_space<hbm>>) target(%arg9 : memref<32x512xf32, #tpu.memory_space<vmem>>) offsets(%dma_start3A_18 : memref<32xi32, #tpu.memory_space<vmem>>) semaphore(%arg13 : memref<!tpu.dma_semaphore, #tpu.memory_space<semaphore_mem>>)
    %dma_wait3A = arith.constant 0 : i32
    %dma_wait3A_22 = tpu.memref_slice %arg5[%dma_wait3A] : memref<128xi32, #tpu.memory_space<vmem>> -> memref<32xi32, #tpu.memory_space<vmem>>
    %dma_wait3A_23 = arith.constant 0 : i32
    %dma_wait3A_24 = arith.constant 0 : i32
    %dma_wait3A_25 = tpu.memref_slice %arg2[%dma_wait3A_23, %dma_wait3A_24] : memref<1024x512xf32, #tpu.memory_space<hbm>> -> memref<1024x512xf32, #tpu.memory_space<hbm>>
    tpu.wait_indirect_dma semaphore(%arg10 : memref<!tpu.dma_semaphore, #tpu.memory_space<semaphore_mem>>) src(%dma_wait3A_25 : memref<1024x512xf32, #tpu.memory_space<hbm>>) dst(%arg6 : memref<32x512xf32, #tpu.memory_space<vmem>>)
    %add3A_26 = arith.constant 0 : i32
    %add3A_27 = arith.addi %mul3A_2, %add3A_26 : i32
    %dma_start3A_28 = arith.constant 0 : i32
    %dma_start3A_29 = tpu.memref_slice %arg4[%add3A_27, %dma_start3A_28] : memref<4096x512xf32, #tpu.memory_space<hbm>> -> memref<32x512xf32, #tpu.memory_space<hbm>>
    %dma_start3A_30 = arith.constant 0 : i32
    %dma_start3A_31 = tpu.memref_slice %arg4[%add3A_27, %dma_start3A_30] : memref<4096x512xf32, #tpu.memory_space<hbm>> -> memref<32x512xf32, #tpu.memory_space<hbm>>
    tpu.enqueue_dma source(%arg6 : memref<32x512xf32, #tpu.memory_space<vmem>>) target(%dma_start3A_31 : memref<32x512xf32, #tpu.memory_space<hbm>>) target_semaphore(%arg14 : memref<!tpu.dma_semaphore, #tpu.memory_space<semaphore_mem>>)
    %dma_wait3A_32 = arith.constant 32 : i32
    %dma_wait3A_33 = tpu.memref_slice %arg5[%dma_wait3A_32] : memref<128xi32, #tpu.memory_space<vmem>> -> memref<32xi32, #tpu.memory_space<vmem>>
    %dma_wait3A_34 = arith.constant 0 : i32
    %dma_wait3A_35 = arith.constant 0 : i32
    %dma_wait3A_36 = tpu.memref_slice %arg2[%dma_wait3A_34, %dma_wait3A_35] : memref<1024x512xf32, #tpu.memory_space<hbm>> -> memref<1024x512xf32, #tpu.memory_space<hbm>>
    tpu.wait_indirect_dma semaphore(%arg11 : memref<!tpu.dma_semaphore, #tpu.memory_space<semaphore_mem>>) src(%dma_wait3A_36 : memref<1024x512xf32, #tpu.memory_space<hbm>>) dst(%arg7 : memref<32x512xf32, #tpu.memory_space<vmem>>)
    %add3A_37 = arith.constant 32 : i32
    %add3A_38 = arith.addi %mul3A_2, %add3A_37 : i32
    %dma_start3A_39 = arith.constant 0 : i32
    %dma_start3A_40 = tpu.memref_slice %arg4[%add3A_38, %dma_start3A_39] : memref<4096x512xf32, #tpu.memory_space<hbm>> -> memref<32x512xf32, #tpu.memory_space<hbm>>
    %dma_start3A_41 = arith.constant 0 : i32
    %dma_start3A_42 = tpu.memref_slice %arg4[%add3A_38, %dma_start3A_41] : memref<4096x512xf32, #tpu.memory_space<hbm>> -> memref<32x512xf32, #tpu.memory_space<hbm>>
    tpu.enqueue_dma source(%arg7 : memref<32x512xf32, #tpu.memory_space<vmem>>) target(%dma_start3A_42 : memref<32x512xf32, #tpu.memory_space<hbm>>) target_semaphore(%arg15 : memref<!tpu.dma_semaphore, #tpu.memory_space<semaphore_mem>>)
    %dma_wait3A_43 = arith.constant 64 : i32
    %dma_wait3A_44 = tpu.memref_slice %arg5[%dma_wait3A_43] : memref<128xi32, #tpu.memory_space<vmem>> -> memref<32xi32, #tpu.memory_space<vmem>>
    %dma_wait3A_45 = arith.constant 0 : i32
    %dma_wait3A_46 = arith.constant 0 : i32
    %dma_wait3A_47 = tpu.memref_slice %arg2[%dma_wait3A_45, %dma_wait3A_46] : memref<1024x512xf32, #tpu.memory_space<hbm>> -> memref<1024x512xf32, #tpu.memory_space<hbm>>
    tpu.wait_indirect_dma semaphore(%arg12 : memref<!tpu.dma_semaphore, #tpu.memory_space<semaphore_mem>>) src(%dma_wait3A_47 : memref<1024x512xf32, #tpu.memory_space<hbm>>) dst(%arg8 : memref<32x512xf32, #tpu.memory_space<vmem>>)
    %add3A_48 = arith.constant 64 : i32
    %add3A_49 = arith.addi %mul3A_2, %add3A_48 : i32
    %dma_start3A_50 = arith.constant 0 : i32
    %dma_start3A_51 = tpu.memref_slice %arg4[%add3A_49, %dma_start3A_50] : memref<4096x512xf32, #tpu.memory_space<hbm>> -> memref<32x512xf32, #tpu.memory_space<hbm>>
    %dma_start3A_52 = arith.constant 0 : i32
    %dma_start3A_53 = tpu.memref_slice %arg4[%add3A_49, %dma_start3A_52] : memref<4096x512xf32, #tpu.memory_space<hbm>> -> memref<32x512xf32, #tpu.memory_space<hbm>>
    tpu.enqueue_dma source(%arg8 : memref<32x512xf32, #tpu.memory_space<vmem>>) target(%dma_start3A_53 : memref<32x512xf32, #tpu.memory_space<hbm>>) target_semaphore(%arg16 : memref<!tpu.dma_semaphore, #tpu.memory_space<semaphore_mem>>)
    %dma_wait3A_54 = arith.constant 96 : i32
    %dma_wait3A_55 = tpu.memref_slice %arg5[%dma_wait3A_54] : memref<128xi32, #tpu.memory_space<vmem>> -> memref<32xi32, #tpu.memory_space<vmem>>
    %dma_wait3A_56 = arith.constant 0 : i32
    %dma_wait3A_57 = arith.constant 0 : i32
    %dma_wait3A_58 = tpu.memref_slice %arg2[%dma_wait3A_56, %dma_wait3A_57] : memref<1024x512xf32, #tpu.memory_space<hbm>> -> memref<1024x512xf32, #tpu.memory_space<hbm>>
    tpu.wait_indirect_dma semaphore(%arg13 : memref<!tpu.dma_semaphore, #tpu.memory_space<semaphore_mem>>) src(%dma_wait3A_58 : memref<1024x512xf32, #tpu.memory_space<hbm>>) dst(%arg9 : memref<32x512xf32, #tpu.memory_space<vmem>>)
    %add3A_59 = arith.constant 96 : i32
    %add3A_60 = arith.addi %mul3A_2, %add3A_59 : i32
    %dma_start3A_61 = arith.constant 0 : i32
    %dma_start3A_62 = tpu.memref_slice %arg4[%add3A_60, %dma_start3A_61] : memref<4096x512xf32, #tpu.memory_space<hbm>> -> memref<32x512xf32, #tpu.memory_space<hbm>>
    %dma_start3A_63 = arith.constant 0 : i32
    %dma_start3A_64 = tpu.memref_slice %arg4[%add3A_60, %dma_start3A_63] : memref<4096x512xf32, #tpu.memory_space<hbm>> -> memref<32x512xf32, #tpu.memory_space<hbm>>
    tpu.enqueue_dma source(%arg9 : memref<32x512xf32, #tpu.memory_space<vmem>>) target(%dma_start3A_64 : memref<32x512xf32, #tpu.memory_space<hbm>>) target_semaphore(%arg17 : memref<!tpu.dma_semaphore, #tpu.memory_space<semaphore_mem>>)
    %dma_wait3A_65 = arith.constant 0 : i32
    %dma_wait3A_66 = tpu.memref_slice %arg4[%add3A_27, %dma_wait3A_65] : memref<4096x512xf32, #tpu.memory_space<hbm>> -> memref<32x512xf32, #tpu.memory_space<hbm>>
    %dma_wait3A_67 = arith.constant 0 : i32
    %dma_wait3A_68 = tpu.memref_slice %arg4[%add3A_27, %dma_wait3A_67] : memref<4096x512xf32, #tpu.memory_space<hbm>> -> memref<32x512xf32, #tpu.memory_space<hbm>>
    tpu.wait_dma2 semaphore(%arg14 : memref<!tpu.dma_semaphore, #tpu.memory_space<semaphore_mem>>) src(%arg6 : memref<32x512xf32, #tpu.memory_space<vmem>>) dst(%dma_wait3A_68 : memref<32x512xf32, #tpu.memory_space<hbm>>)
    %dma_wait3A_69 = arith.constant 0 : i32
    %dma_wait3A_70 = tpu.memref_slice %arg4[%add3A_38, %dma_wait3A_69] : memref<4096x512xf32, #tpu.memory_space<hbm>> -> memref<32x512xf32, #tpu.memory_space<hbm>>
    %dma_wait3A_71 = arith.constant 0 : i32
    %dma_wait3A_72 = tpu.memref_slice %arg4[%add3A_38, %dma_wait3A_71] : memref<4096x512xf32, #tpu.memory_space<hbm>> -> memref<32x512xf32, #tpu.memory_space<hbm>>
    tpu.wait_dma2 semaphore(%arg15 : memref<!tpu.dma_semaphore, #tpu.memory_space<semaphore_mem>>) src(%arg7 : memref<32x512xf32, #tpu.memory_space<vmem>>) dst(%dma_wait3A_72 : memref<32x512xf32, #tpu.memory_space<hbm>>)
    %dma_wait3A_73 = arith.constant 0 : i32
    %dma_wait3A_74 = tpu.memref_slice %arg4[%add3A_49, %dma_wait3A_73] : memref<4096x512xf32, #tpu.memory_space<hbm>> -> memref<32x512xf32, #tpu.memory_space<hbm>>
    %dma_wait3A_75 = arith.constant 0 : i32
    %dma_wait3A_76 = tpu.memref_slice %arg4[%add3A_49, %dma_wait3A_75] : memref<4096x512xf32, #tpu.memory_space<hbm>> -> memref<32x512xf32, #tpu.memory_space<hbm>>
    tpu.wait_dma2 semaphore(%arg16 : memref<!tpu.dma_semaphore, #tpu.memory_space<semaphore_mem>>) src(%arg8 : memref<32x512xf32, #tpu.memory_space<vmem>>) dst(%dma_wait3A_76 : memref<32x512xf32, #tpu.memory_space<hbm>>)
    %dma_wait3A_77 = arith.constant 0 : i32
    %dma_wait3A_78 = tpu.memref_slice %arg4[%add3A_60, %dma_wait3A_77] : memref<4096x512xf32, #tpu.memory_space<hbm>> -> memref<32x512xf32, #tpu.memory_space<hbm>>
    %dma_wait3A_79 = arith.constant 0 : i32
    %dma_wait3A_80 = tpu.memref_slice %arg4[%add3A_60, %dma_wait3A_79] : memref<4096x512xf32, #tpu.memory_space<hbm>> -> memref<32x512xf32, #tpu.memory_space<hbm>>
    tpu.wait_dma2 semaphore(%arg17 : memref<!tpu.dma_semaphore, #tpu.memory_space<semaphore_mem>>) src(%arg9 : memref<32x512xf32, #tpu.memory_space<vmem>>) dst(%dma_wait3A_80 : memref<32x512xf32, #tpu.memory_space<hbm>>)
    return
  }
}

module attributes {stable_mosaic.version = 14 : i64} {
  func.func @_enc_body(%arg0: i32, %arg1: memref<1x512x80xf32, #tpu.memory_space<vmem>>, %arg2: memref<240x512xf32, #tpu.memory_space<vmem>>, %arg3: memref<1x512xf32, #tpu.memory_space<vmem>>, %arg4: memref<1536x512xf32, #tpu.memory_space<vmem>>, %arg5: memref<1x512xf32, #tpu.memory_space<vmem>>, %arg6: memref<512x1024xf32, #tpu.memory_space<vmem>>, %arg7: memref<1x1x512xi32, #tpu.memory_space<vmem>>) attributes {dimension_semantics = [#tpu.dimension_semantics<parallel>], iteration_bounds = array<i64: 8>, scalar_prefetch = 0 : i64, scratch_operands = 0 : i64, tpu.core_type = #tpu.core_type<tc>, window_params = [{transform_indices = @transform_0, window_bounds = array<i64: 1, 512, 80>}, {pipeline_mode = #tpu.pipeline_mode<synchronous>, transform_indices = @transform_1, window_bounds = array<i64: 240, 512>}, {pipeline_mode = #tpu.pipeline_mode<synchronous>, transform_indices = @transform_2, window_bounds = array<i64: 1, 512>}, {pipeline_mode = #tpu.pipeline_mode<synchronous>, transform_indices = @transform_3, window_bounds = array<i64: 1536, 512>}, {pipeline_mode = #tpu.pipeline_mode<synchronous>, transform_indices = @transform_4, window_bounds = array<i64: 1, 512>}, {pipeline_mode = #tpu.pipeline_mode<synchronous>, transform_indices = @transform_5, window_bounds = array<i64: 512, 1024>}, {transform_indices = @transform_6, window_bounds = array<i64: 1, 1, 512>}]} {
    %get3A = arith.constant 0 : index
    %get3A_0 = arith.constant 0 : index
    %get3A_1 = arith.constant 0 : index
    %get3A_2 = vector.load %arg1[%get3A, %get3A_0, %get3A_1] : memref<1x512x80xf32, #tpu.memory_space<vmem>>, vector<1x512x80xf32>
    %get3A_3 = vector.shape_cast %get3A_2 : vector<1x512x80xf32> to vector<512x80xf32>
    %broadcast_in_dim3A = arith.constant 0.000000e+00 : f32
    %broadcast_in_dim3A_4 = vector.broadcast %broadcast_in_dim3A : f32 to vector<1x80xf32>
    %slice3A = vector.extract_strided_slice %get3A_3 {offsets = [0, 0], sizes = [511, 80], strides = [1, 1]} : vector<512x80xf32> to vector<511x80xf32>
    %concatenate3A = tpu.concatenate %broadcast_in_dim3A_4, %slice3A in 0 : vector<1x80xf32>, vector<511x80xf32> -> vector<512x80xf32>
    %slice3A_5 = vector.extract_strided_slice %get3A_3 {offsets = [1, 0], sizes = [511, 80], strides = [1, 1]} : vector<512x80xf32> to vector<511x80xf32>
    %concatenate3A_6 = tpu.concatenate %slice3A_5, %broadcast_in_dim3A_4 in 0 : vector<511x80xf32>, vector<1x80xf32> -> vector<512x80xf32>
    %concatenate3A_7 = tpu.concatenate %concatenate3A, %get3A_3, %concatenate3A_6 in 1 : vector<512x80xf32>, vector<512x80xf32>, vector<512x80xf32> -> vector<512x240xf32>
    %get3A_8 = arith.constant 0 : index
    %get3A_9 = arith.constant 0 : index
    %get3A_10 = vector.load %arg2[%get3A_8, %get3A_9] : memref<240x512xf32, #tpu.memory_space<vmem>>, vector<240x512xf32>
    %dot_general3A = arith.constant dense<0.000000e+00> : vector<512x512xf32>
    %dot_general3A_11 = tpu.matmul %concatenate3A_7, %get3A_10, %dot_general3A {dimension_numbers = #tpu.dot_dimension_numbers<[1], [0], [0], [1], [0, 0, 1, 1], [], []>, transpose_lhs_hint = false} : vector<512x240xf32>, vector<240x512xf32>, vector<512x512xf32> -> vector<512x512xf32>
    %get3A_12 = arith.constant 0 : index
    %get3A_13 = arith.constant 0 : index
    %get3A_14 = vector.load %arg3[%get3A_12, %get3A_13] : memref<1x512xf32, #tpu.memory_space<vmem>>, vector<1x512xf32>
    %add3A = vector.broadcast %get3A_14 : vector<1x512xf32> to vector<512x512xf32>
    %add3A_15 = arith.addf %dot_general3A_11, %add3A : vector<512x512xf32>
    %max3A = arith.constant 0.000000e+00 : f32
    %max3A_16 = vector.broadcast %max3A : f32 to vector<512x512xf32>
    %max3A_17 = arith.maximumf %add3A_15, %max3A_16 : vector<512x512xf32>
    %broadcast_in_dim3A_18 = arith.constant 0.000000e+00 : f32
    %broadcast_in_dim3A_19 = vector.broadcast %broadcast_in_dim3A_18 : f32 to vector<1x512xf32>
    %slice3A_20 = vector.extract_strided_slice %max3A_17 {offsets = [0, 0], sizes = [511, 512], strides = [1, 1]} : vector<512x512xf32> to vector<511x512xf32>
    %concatenate3A_21 = tpu.concatenate %broadcast_in_dim3A_19, %slice3A_20 in 0 : vector<1x512xf32>, vector<511x512xf32> -> vector<512x512xf32>
    %slice3A_22 = vector.extract_strided_slice %max3A_17 {offsets = [1, 0], sizes = [511, 512], strides = [1, 1]} : vector<512x512xf32> to vector<511x512xf32>
    %concatenate3A_23 = tpu.concatenate %slice3A_22, %broadcast_in_dim3A_19 in 0 : vector<511x512xf32>, vector<1x512xf32> -> vector<512x512xf32>
    %concatenate3A_24 = tpu.concatenate %concatenate3A_21, %max3A_17, %concatenate3A_23 in 1 : vector<512x512xf32>, vector<512x512xf32>, vector<512x512xf32> -> vector<512x1536xf32>
    %get3A_25 = arith.constant 0 : index
    %get3A_26 = arith.constant 0 : index
    %get3A_27 = vector.load %arg4[%get3A_25, %get3A_26] : memref<1536x512xf32, #tpu.memory_space<vmem>>, vector<1536x512xf32>
    %dot_general3A_28 = arith.constant dense<0.000000e+00> : vector<512x512xf32>
    %dot_general3A_29 = tpu.matmul %concatenate3A_24, %get3A_27, %dot_general3A_28 {dimension_numbers = #tpu.dot_dimension_numbers<[1], [0], [0], [1], [0, 0, 1, 1], [], []>, transpose_lhs_hint = false} : vector<512x1536xf32>, vector<1536x512xf32>, vector<512x512xf32> -> vector<512x512xf32>
    %get3A_30 = arith.constant 0 : index
    %get3A_31 = arith.constant 0 : index
    %get3A_32 = vector.load %arg5[%get3A_30, %get3A_31] : memref<1x512xf32, #tpu.memory_space<vmem>>, vector<1x512xf32>
    %add3A_33 = vector.broadcast %get3A_32 : vector<1x512xf32> to vector<512x512xf32>
    %add3A_34 = arith.addf %dot_general3A_29, %add3A_33 : vector<512x512xf32>
    %get3A_35 = arith.constant 0 : index
    %get3A_36 = arith.constant 0 : index
    %get3A_37 = vector.load %arg6[%get3A_35, %get3A_36] : memref<512x1024xf32, #tpu.memory_space<vmem>>, vector<512x1024xf32>
    %dot_general3A_38 = arith.constant dense<0.000000e+00> : vector<512x1024xf32>
    %dot_general3A_39 = tpu.matmul %add3A_34, %get3A_37, %dot_general3A_38 {dimension_numbers = #tpu.dot_dimension_numbers<[1], [0], [0], [1], [0, 0, 1, 1], [], []>, transpose_lhs_hint = false} : vector<512x512xf32>, vector<512x1024xf32>, vector<512x1024xf32> -> vector<512x1024xf32>
    %mul3A = arith.mulf %get3A_37, %get3A_37 : vector<512x1024xf32>
    %reduce_sum3A = arith.constant dense<0.000000e+00> : vector<1024xf32>
    %reduce_sum3A_40 = vector.multi_reduction <add>, %mul3A, %reduce_sum3A [0] : vector<512x1024xf32> to vector<1024xf32>
    %broadcast_in_dim3A_41 = vector.shape_cast %reduce_sum3A_40 : vector<1024xf32> to vector<1x1024xf32>
    %mul3A_42 = arith.constant 2.000000e+00 : f32
    %mul3A_43 = vector.broadcast %mul3A_42 : f32 to vector<512x1024xf32>
    %mul3A_44 = arith.mulf %mul3A_43, %dot_general3A_39 : vector<512x1024xf32>
    %sub3A = vector.broadcast %broadcast_in_dim3A_41 : vector<1x1024xf32> to vector<512x1024xf32>
    %sub3A_45 = arith.subf %sub3A, %mul3A_44 : vector<512x1024xf32>
    %reduce_min3A = arith.constant dense<0x7F800000> : vector<512xf32>
    %reduce_min3A_46 = vector.multi_reduction <minimumf>, %sub3A_45, %reduce_min3A [1] : vector<512x1024xf32> to vector<512xf32>
    %broadcast_in_dim3A_47 = vector.shape_cast %reduce_min3A_46 : vector<512xf32> to vector<512x1xf32>
    %iota3A = tpu.iota {dimensions = array<i32: 1>} : vector<512x1024xi32>
    %eq3A = vector.broadcast %broadcast_in_dim3A_47 : vector<512x1xf32> to vector<512x1024xf32>
    %eq3A_48 = arith.cmpf oeq, %sub3A_45, %eq3A : vector<512x1024xf32>
    %jit3A = arith.constant 1024 : i32
    %broadcast_in_dim3A_49 = vector.broadcast %jit3A : i32 to vector<512x1024xi32>
    %select_n3A = arith.select %eq3A_48, %iota3A, %broadcast_in_dim3A_49 : vector<512x1024xi1>, vector<512x1024xi32>
    %reduce_min3A_50 = arith.constant dense<2147483647> : vector<512xi32>
    %reduce_min3A_51 = vector.multi_reduction <minsi>, %select_n3A, %reduce_min3A_50 [1] : vector<512x1024xi32> to vector<512xi32>
    %reshape3A = vector.shape_cast %reduce_min3A_51 : vector<512xi32> to vector<1x1x512xi32>
    %swap3A = arith.constant 0 : index
    %swap3A_52 = arith.constant 0 : index
    %swap3A_53 = arith.constant 0 : index
    %swap3A_54 = vector.load %arg7[%swap3A, %swap3A_52, %swap3A_53] : memref<1x1x512xi32, #tpu.memory_space<vmem>>, vector<1x1x512xi32>
    tpu.vector_store %arg7[%swap3A, %swap3A_52, %swap3A_53], %reshape3A {strides = array<i32>} : memref<1x1x512xi32, #tpu.memory_space<vmem>>, vector<1x1x512xi32>,
    return
  }
  func.func @transform_0(%arg0: i32) -> (i32, i32, i32) {
    %c0_i32 = arith.constant 0 : i32
    %c0_i32_0 = arith.constant 0 : i32
    %c0_i32_1 = arith.constant 0 : i32
    return %arg0, %c0_i32, %c0_i32_0 : i32, i32, i32
  }
  func.func @transform_1(%arg0: i32) -> (i32, i32) {
    %c0_i32 = arith.constant 0 : i32
    %c0_i32_0 = arith.constant 0 : i32
    %c0_i32_1 = arith.constant 0 : i32
    return %c0_i32, %c0_i32_0 : i32, i32
  }
  func.func @transform_2(%arg0: i32) -> (i32, i32) {
    %c0_i32 = arith.constant 0 : i32
    %c0_i32_0 = arith.constant 0 : i32
    %c0_i32_1 = arith.constant 0 : i32
    return %c0_i32, %c0_i32_0 : i32, i32
  }
  func.func @transform_3(%arg0: i32) -> (i32, i32) {
    %c0_i32 = arith.constant 0 : i32
    %c0_i32_0 = arith.constant 0 : i32
    %c0_i32_1 = arith.constant 0 : i32
    return %c0_i32, %c0_i32_0 : i32, i32
  }
  func.func @transform_4(%arg0: i32) -> (i32, i32) {
    %c0_i32 = arith.constant 0 : i32
    %c0_i32_0 = arith.constant 0 : i32
    %c0_i32_1 = arith.constant 0 : i32
    return %c0_i32, %c0_i32_0 : i32, i32
  }
  func.func @transform_5(%arg0: i32) -> (i32, i32) {
    %c0_i32 = arith.constant 0 : i32
    %c0_i32_0 = arith.constant 0 : i32
    %c0_i32_1 = arith.constant 0 : i32
    return %c0_i32, %c0_i32_0 : i32, i32
  }
  func.func @transform_6(%arg0: i32) -> (i32, i32, i32) {
    %c0_i32 = arith.constant 0 : i32
    %c0_i32_0 = arith.constant 0 : i32
    %c0_i32_1 = arith.constant 0 : i32
    return %arg0, %c0_i32, %c0_i32_0 : i32, i32, i32
  }
}

module attributes {stable_mosaic.version = 14 : i64} {
  func.func @_dec_body(%arg0: i32, %arg1: memref<1x512x512xf32, #tpu.memory_space<vmem>>, %arg2: memref<1536x512xf32, #tpu.memory_space<vmem>>, %arg3: memref<1x512xf32, #tpu.memory_space<vmem>>, %arg4: memref<1536x80xf32, #tpu.memory_space<vmem>>, %arg5: memref<1x80xf32, #tpu.memory_space<vmem>>, %arg6: memref<1x512x80xf32, #tpu.memory_space<vmem>>) attributes {dimension_semantics = [#tpu.dimension_semantics<parallel>], iteration_bounds = array<i64: 8>, scalar_prefetch = 0 : i64, scratch_operands = 0 : i64, tpu.core_type = #tpu.core_type<tc>, window_params = [{transform_indices = @transform_0, window_bounds = array<i64: 1, 512, 512>}, {pipeline_mode = #tpu.pipeline_mode<synchronous>, transform_indices = @transform_1, window_bounds = array<i64: 1536, 512>}, {pipeline_mode = #tpu.pipeline_mode<synchronous>, transform_indices = @transform_2, window_bounds = array<i64: 1, 512>}, {pipeline_mode = #tpu.pipeline_mode<synchronous>, transform_indices = @transform_3, window_bounds = array<i64: 1536, 80>}, {pipeline_mode = #tpu.pipeline_mode<synchronous>, transform_indices = @transform_4, window_bounds = array<i64: 1, 80>}, {transform_indices = @transform_5, window_bounds = array<i64: 1, 512, 80>}]} {
    %get3A = arith.constant 0 : index
    %get3A_0 = arith.constant 0 : index
    %get3A_1 = arith.constant 0 : index
    %get3A_2 = vector.load %arg1[%get3A, %get3A_0, %get3A_1] : memref<1x512x512xf32, #tpu.memory_space<vmem>>, vector<1x512x512xf32>
    %get3A_3 = vector.shape_cast %get3A_2 : vector<1x512x512xf32> to vector<512x512xf32>
    %broadcast_in_dim3A = arith.constant 0.000000e+00 : f32
    %broadcast_in_dim3A_4 = vector.broadcast %broadcast_in_dim3A : f32 to vector<1x512xf32>
    %slice3A = vector.extract_strided_slice %get3A_3 {offsets = [0, 0], sizes = [511, 512], strides = [1, 1]} : vector<512x512xf32> to vector<511x512xf32>
    %concatenate3A = tpu.concatenate %broadcast_in_dim3A_4, %slice3A in 0 : vector<1x512xf32>, vector<511x512xf32> -> vector<512x512xf32>
    %slice3A_5 = vector.extract_strided_slice %get3A_3 {offsets = [1, 0], sizes = [511, 512], strides = [1, 1]} : vector<512x512xf32> to vector<511x512xf32>
    %concatenate3A_6 = tpu.concatenate %slice3A_5, %broadcast_in_dim3A_4 in 0 : vector<511x512xf32>, vector<1x512xf32> -> vector<512x512xf32>
    %concatenate3A_7 = tpu.concatenate %concatenate3A, %get3A_3, %concatenate3A_6 in 1 : vector<512x512xf32>, vector<512x512xf32>, vector<512x512xf32> -> vector<512x1536xf32>
    %get3A_8 = arith.constant 0 : index
    %get3A_9 = arith.constant 0 : index
    %get3A_10 = vector.load %arg2[%get3A_8, %get3A_9] : memref<1536x512xf32, #tpu.memory_space<vmem>>, vector<1536x512xf32>
    %dot_general3A = arith.constant dense<0.000000e+00> : vector<512x512xf32>
    %dot_general3A_11 = tpu.matmul %concatenate3A_7, %get3A_10, %dot_general3A {dimension_numbers = #tpu.dot_dimension_numbers<[1], [0], [0], [1], [0, 0, 1, 1], [], []>, transpose_lhs_hint = false} : vector<512x1536xf32>, vector<1536x512xf32>, vector<512x512xf32> -> vector<512x512xf32>
    %get3A_12 = arith.constant 0 : index
    %get3A_13 = arith.constant 0 : index
    %get3A_14 = vector.load %arg3[%get3A_12, %get3A_13] : memref<1x512xf32, #tpu.memory_space<vmem>>, vector<1x512xf32>
    %add3A = vector.broadcast %get3A_14 : vector<1x512xf32> to vector<512x512xf32>
    %add3A_15 = arith.addf %dot_general3A_11, %add3A : vector<512x512xf32>
    %max3A = arith.constant 0.000000e+00 : f32
    %max3A_16 = vector.broadcast %max3A : f32 to vector<512x512xf32>
    %max3A_17 = arith.maximumf %add3A_15, %max3A_16 : vector<512x512xf32>
    %broadcast_in_dim3A_18 = arith.constant 0.000000e+00 : f32
    %broadcast_in_dim3A_19 = vector.broadcast %broadcast_in_dim3A_18 : f32 to vector<1x512xf32>
    %slice3A_20 = vector.extract_strided_slice %max3A_17 {offsets = [0, 0], sizes = [511, 512], strides = [1, 1]} : vector<512x512xf32> to vector<511x512xf32>
    %concatenate3A_21 = tpu.concatenate %broadcast_in_dim3A_19, %slice3A_20 in 0 : vector<1x512xf32>, vector<511x512xf32> -> vector<512x512xf32>
    %slice3A_22 = vector.extract_strided_slice %max3A_17 {offsets = [1, 0], sizes = [511, 512], strides = [1, 1]} : vector<512x512xf32> to vector<511x512xf32>
    %concatenate3A_23 = tpu.concatenate %slice3A_22, %broadcast_in_dim3A_19 in 0 : vector<511x512xf32>, vector<1x512xf32> -> vector<512x512xf32>
    %concatenate3A_24 = tpu.concatenate %concatenate3A_21, %max3A_17, %concatenate3A_23 in 1 : vector<512x512xf32>, vector<512x512xf32>, vector<512x512xf32> -> vector<512x1536xf32>
    %get3A_25 = arith.constant 0 : index
    %get3A_26 = arith.constant 0 : index
    %get3A_27 = vector.load %arg4[%get3A_25, %get3A_26] : memref<1536x80xf32, #tpu.memory_space<vmem>>, vector<1536x80xf32>
    %dot_general3A_28 = arith.constant dense<0.000000e+00> : vector<512x80xf32>
    %dot_general3A_29 = tpu.matmul %concatenate3A_24, %get3A_27, %dot_general3A_28 {dimension_numbers = #tpu.dot_dimension_numbers<[1], [0], [0], [1], [0, 0, 1, 1], [], []>, transpose_lhs_hint = false} : vector<512x1536xf32>, vector<1536x80xf32>, vector<512x80xf32> -> vector<512x80xf32>
    %get3A_30 = arith.constant 0 : index
    %get3A_31 = arith.constant 0 : index
    %get3A_32 = vector.load %arg5[%get3A_30, %get3A_31] : memref<1x80xf32, #tpu.memory_space<vmem>>, vector<1x80xf32>
    %add3A_33 = vector.broadcast %get3A_32 : vector<1x80xf32> to vector<512x80xf32>
    %add3A_34 = arith.addf %dot_general3A_29, %add3A_33 : vector<512x80xf32>
    %reshape3A = vector.shape_cast %add3A_34 : vector<512x80xf32> to vector<1x512x80xf32>
    %swap3A = arith.constant 0 : index
    %swap3A_35 = arith.constant 0 : index
    %swap3A_36 = arith.constant 0 : index
    %swap3A_37 = vector.load %arg6[%swap3A, %swap3A_35, %swap3A_36] : memref<1x512x80xf32, #tpu.memory_space<vmem>>, vector<1x512x80xf32>
    tpu.vector_store %arg6[%swap3A, %swap3A_35, %swap3A_36], %reshape3A {strides = array<i32>} : memref<1x512x80xf32, #tpu.memory_space<vmem>>, vector<1x512x80xf32>,
    return
  }
  func.func @transform_0(%arg0: i32) -> (i32, i32, i32) {
    %c0_i32 = arith.constant 0 : i32
    %c0_i32_0 = arith.constant 0 : i32
    %c0_i32_1 = arith.constant 0 : i32
    return %arg0, %c0_i32, %c0_i32_0 : i32, i32, i32
  }
  func.func @transform_1(%arg0: i32) -> (i32, i32) {
    %c0_i32 = arith.constant 0 : i32
    %c0_i32_0 = arith.constant 0 : i32
    %c0_i32_1 = arith.constant 0 : i32
    return %c0_i32, %c0_i32_0 : i32, i32
  }
  func.func @transform_2(%arg0: i32) -> (i32, i32) {
    %c0_i32 = arith.constant 0 : i32
    %c0_i32_0 = arith.constant 0 : i32
    %c0_i32_1 = arith.constant 0 : i32
    return %c0_i32, %c0_i32_0 : i32, i32
  }
  func.func @transform_3(%arg0: i32) -> (i32, i32) {
    %c0_i32 = arith.constant 0 : i32
    %c0_i32_0 = arith.constant 0 : i32
    %c0_i32_1 = arith.constant 0 : i32
    return %c0_i32, %c0_i32_0 : i32, i32
  }
  func.func @transform_4(%arg0: i32) -> (i32, i32) {
    %c0_i32 = arith.constant 0 : i32
    %c0_i32_0 = arith.constant 0 : i32
    %c0_i32_1 = arith.constant 0 : i32
    return %c0_i32, %c0_i32_0 : i32, i32
  }
  func.func @transform_5(%arg0: i32) -> (i32, i32, i32) {
    %c0_i32 = arith.constant 0 : i32
    %c0_i32_0 = arith.constant 0 : i32
    %c0_i32_1 = arith.constant 0 : i32
    return %arg0, %c0_i32, %c0_i32_0 : i32, i32, i32
  }
}

</mosaic_0001>

<sc_bundles>
// kernel: kernel.5.cloned.1.call-start
scs
__scs_entry_jumppad:
0x0: {  	(pc) =	sbr.rel $0x88, $3  }
0x1: {  	(tag) =	ssettag $0x0;
	lr =	simm.s32 $0x1  }
0x2: {  	[smem:$0x3F97] =	sst lr;
	_ =	strace $0xD0000000  }
0x3: {  	_ = 	snop  }
0x4: {  	_ = 	snop  }
0x5: {  	_ = 	snop  }
0x6: {  	_ = 	snop  }
0x7: {  	_ = 	snop  }
__scs_overlays_trampoline_lowered:
0x8: {  	[smem:$0x3FA6] =	sst s0  }
0x9: {  	[smem:$0x3FA7] =	sst s1  }
0xa: {  	[smem:$0x3FA8] =	sst s2  }
0xb: {  	[smem:$0x3FA9] =	sst s3  }
0xc: {  	[smem:$0x3FAA] =	sst s4  }
0xd: {  	[smem:$0x3FAB] =	sst s5  }
0xe: {  	[smem:$0x3FAC] =	sst s6  }
0xf: {  	[smem:$0x3FAD] =	sst s7  }
0x10: {  	[smem:$0x3FAE] =	sst s8  }
0x11: {  	[smem:$0x3FAF] =	sst s9;
	s0 =	simm.s32 @!p0 $0x0  }
0x12: {  	s1 =	sld [smem:$0x3F95];
	s0 =	simm.s32 @p0 $0x1  }
0x13: {  	[smem:$0x3FB0] =	sst s0;
	s0 =	simm.s32 @!p1 $0x0  }
0x14: {  	s2 =	sld [smem:$0x3F94];
	s0 =	simm.s32 @p1 $0x1  }
0x15: {  	[smem:$0x3FB1] =	sst s0;
	s0 =	simm.s32 @!p2 $0x0  }
0x16: {  	s3 =	sld [smem:$0x3FDB];
	s0 =	simm.s32 @p2 $0x1  }
0x17: {  	s4 =	simm.s32 $0x1BF5;
	[smem:$0x3FB3] =	sst s0  }
0x18: {  	s0 =	sld [smem:$0x3F96];
	_ =	swait.ge [sflag:s4], $0x0  }
0x19: {  	s7 =	sld [smem:$0x3F97]  }
0x1a: {  	s8 =	sadd.s32 $0xFFFFE003, lr  }
0x1b: {  	s9 =	sadd.s32 $0xFFFFFEF7, lr;
	s5 =	simm.s32 $0xFFFFFFFF;
	p2 =	slt.u32 s8, $0xFFFFF086  }
0x1c: {  	p1 =	slt.u32 s9, $0xF7A;
	s5 =	simm.s32 @!p2 $0x0  }
0x1d: {  	s5 =	simm.s32 @p1 $0x1;
	p0 =	seq.s32 s7, s2  }
0x1e: {  	s7 =	smul.u32 @!p0 $0xF7A, s2;
	p2 =	seq.s32 @!p0 s5, $0x0  }
0x1f: {  	s9 =	smul.u32 $0xF7A, s1;
	s8 =	simm.s32 @!p0 $0x1BF5;
	p2 =	por !p2, p0  }
0x20: {  	[sflag:s8] =	ssyncset.s32 @!p0 $0xFFFFF086;
	s6 =	sadd.s32 @!p0 s3, s7;
	s7 =	simm.s32 @!p0 $0x108  }
0x21: {  	s3 =	sadd.s32 s3, s9;
	s6 =	sadd.s32 @!p0 $0x88, s6;
	s7 =	simm.s32 @p2 $0x1082  }
0x22: {  	[simem:s7], [sflag:s8] =	dma.local @!p0 [hbm:s6], $0xF7A  }
0x23: {  	s9 =	sor.u32 $0xD0000000, s2;
	s6 =	simm.s32 $0x108;
	_ =	swait.ge @!p0 [sflag:s8], $0x0  }
0x24: {  	s3 =	sadd.s32 $0x88, s3;
	s6 =	simm.s32 @!p1 $0x1082;
	[sflag:s4] =	ssyncset.s32 $0xFFFFF086  }
0x25: {  	[simem:s6], [sflag:s4] =	dma.local [hbm:s3], $0xF7A  }
0x26: {  	[smem:$0x3F97] =	sst s1;
	(tag) =	ssettag s2;
	_ =	strace s9  }
0x27: {  	s1 =	sld [smem:$0x3FA7]  }
0x28: {  	s2 =	sld [smem:$0x3FA8]  }
0x29: {  	s4 =	sld [smem:$0x3FAA]  }
0x2a: {  	p0 =	seq.s32 s5, $0x0;
	s5 =	sld [smem:$0x3FAB]  }
0x2b: {  	s6 =	sld [smem:$0x3FAC]  }
0x2c: {  	s7 =	sld [smem:$0x3FAD]  }
0x2d: {  	s3 =	simm.s32 $0x108;
	s8 =	sld [smem:$0x3FAE]  }
0x2e: {  	s3 =	simm.s32 @!p0 $0x1082;
	s9 =	sld [smem:$0x3FAF]  }
0x2f: {  	lr =	sadd.s32 s0, s3;
	s0 =	sld [smem:$0x3FA6]  }
0x30: {  	s3 =	sld [smem:$0x3FA9]  }
0x31: {  	[smem:$0x3FB2] =	sst s10  }
0x32: {  	s10 =	sld [smem:$0x3FB0];
	_ =	sdelay $0x3  }
0x33: {  	p0 =	seq.s32 s10, $0x1;
	s10 =	sld [smem:$0x3FB2];
	_ =	sdelay $0x3  }
0x34: {  	[smem:$0x3FB2] =	sst s10  }
0x35: {  	s10 =	sld [smem:$0x3FB1];
	_ =	sdelay $0x3  }
0x36: {  	p1 =	seq.s32 s10, $0x1;
	s10 =	sld [smem:$0x3FB2];
	_ =	sdelay $0x3  }
0x37: {  	[smem:$0x3FB2] =	sst s10  }
0x38: {  	s10 =	sld [smem:$0x3FB3]  }
0x39: {  	_ = 	snop;
	(pc) =	sbr.ind lr, $3  }
0x3a: {  	_ = 	snop  }
0x3b: {  	_ = 	snop  }
0x3c: {  	p2 =	seq.s32 s10, $0x1;
	s10 =	sld [smem:$0x3FB2]  }
0x3d: {  	_ =	shalt  }
0x3e: {  	_ =	shalt  }
0x3f: {  	_ =	shalt  }
0x40: {  	_ =	shalt  }
0x41: {  	_ =	shalt  }
0x42: {  	_ =	shalt  }
0x43: {  	_ =	shalt  }
0x44: {  	_ =	shalt  }
0x45: {  	_ =	shalt  }
0x46: {  	_ =	shalt  }
0x47: {  	_ =	shalt  }
0x48: {  	_ =	shalt  }
0x49: {  	_ =	shalt  }
0x4a: {  	_ =	shalt  }
0x4b: {  	_ =	shalt  }
0x4c: {  	_ =	shalt  }
0x4d: {  	_ =	shalt  }
0x4e: {  	_ =	shalt  }
0x4f: {  	_ =	shalt  }
0x50: {  	_ =	shalt  }
0x51: {  	_ =	shalt  }
0x52: {  	_ =	shalt  }
0x53: {  	_ =	shalt  }
0x54: {  	_ =	shalt  }
0x55: {  	_ =	shalt  }
0x56: {  	_ =	shalt  }
0x57: {  	_ =	shalt  }
0x58: {  	_ =	shalt  }
0x59: {  	_ =	shalt  }
0x5a: {  	_ =	shalt  }
0x5b: {  	_ =	shalt  }
0x5c: {  	_ =	shalt  }
0x5d: {  	_ =	shalt  }
0x5e: {  	_ =	shalt  }
0x5f: {  	_ =	shalt  }
0x60: {  	_ =	shalt  }
0x61: {  	_ =	shalt  }
0x62: {  	_ =	shalt  }
0x63: {  	_ =	shalt  }
0x64: {  	_ =	shalt  }
0x65: {  	_ =	shalt  }
0x66: {  	_ =	shalt  }
0x67: {  	_ =	shalt  }
0x68: {  	_ =	shalt  }
0x69: {  	_ =	shalt  }
0x6a: {  	_ =	shalt  }
0x6b: {  	_ =	shalt  }
0x6c: {  	_ =	shalt  }
0x6d: {  	_ =	shalt  }
0x6e: {  	_ =	shalt  }
0x6f: {  	_ =	shalt  }
0x70: {  	_ =	shalt  }
0x71: {  	_ =	shalt  }
0x72: {  	_ =	shalt  }
0x73: {  	_ =	shalt  }
0x74: {  	_ =	shalt  }
0x75: {  	_ =	shalt  }
0x76: {  	_ =	shalt  }
0x77: {  	_ =	shalt  }
0x78: {  	_ =	shalt  }
0x79: {  	_ =	shalt  }
0x7a: {  	_ =	shalt  }
0x7b: {  	_ =	shalt  }
0x7c: {  	_ =	shalt  }
0x7d: {  	_ =	shalt  }
0x7e: {  	_ =	shalt  }
0x7f: {  	_ =	shalt  }
0x80: {  	_ =	shalt  }
0x81: {  	_ =	shalt  }
0x82: {  	_ =	shalt  }
0x83: {  	_ =	shalt  }
0x84: {  	_ =	shalt  }
0x85: {  	_ =	shalt  }
0x86: {  	_ =	shalt  }
0x87: {  	_ =	shalt  }
.Lfunc_end0:
.L_simem_size_0:
called_computation_lowered:
.L_overlay_start_0:
0x88: {  	s2 =	sld [smem:$0x3FD9]  }
0x89: {  	s3 =	sld [smem:$0x3FFE];
	_ =	sdelay $0x1  }
0x8a: {  	s1 =	srdreg.scid  }
0x8b: {  	s0 =	sand.u32 $0x1, s1  }
0x8c: {  	s14 =	sshll.u32 s0, $0xA;
	s2 =	sadd.s32 s3, s2  }
0x8d: {  	s2 =	sadd.s32 s2, s14  }
0x8e: {  	[smem:$0x3FBE] =	sst s2  }
0x8f: {  	_ = 	snop  }
0x90: {  	s2 =	sld [smem:$0x3FD0];
	_ =	sdelay $0x2  }
0x91: {  	s4 =	simm.s32 $0xA;
	s5 =	simm.s32 $0x10;
	s15 =	sld [smem:$0x3FC4]  }
0x92: {  	[smem:s5], [sflag:s4] =	dma.local [hbm:s2], $0x1  }
0x93: {  	_ =	swait.eq [sflag:s4], $0x1  }
0x94: {  	[sflag:s4] =	ssyncset.done $0x0  }
0x95: {  	[sflag:s4] =	ssyncadd.s32 $0xFFFFFFFF  }
0x96: {  	s16 =	sld [smem:$0x10];
	(tm) =	ssettm $0x1  }
0x97: {  	s17 =	sld [smem:$0x3FFB];
	_ =	sdelay $0x3  }
0x98: {  	_ =	strace s17  }
0x99: {  	s4 =	sld [smem:$0x3FFC];
	_ =	sdelay $0x3  }
0x9a: {  	_ =	strace s4  }
0x9b: {  	s4 =	sld [smem:$0x3FFD];
	_ =	sdelay $0x3  }
0x9c: {  	_ =	strace s4  }
0x9d: {  	_ =	strace $0x8FFFFFFF  }
0x9e: {  	s18 =	sld [smem:$0x3FDB];
	_ =	sdelay $0x1  }
0x9f: {  	s19 =	simm.s32 $_scs_section_size  }
0xa0: {  	s6 =	simm.s32 $_size__tile_overlayer_lowered;
	s7 =	simm.s32 $_tile_overlayer_lowered  }
0xa1: {  	s22 =	simm.s32 $0x1BFF;
	s21 =	sshll.u32 s7, $0x1;
	s4 =	sadd.s32 s19, s18  }
0xa2: {  	s8 =	simm.s32 $0x0;
	s20 =	sshll.u32 s6, $0x1;
	s6 =	sadd.s32 s21, s4  }
0xa3: {  	[timem:s8], [sflag:s22] =	dma.local [hbm:s6], s20  }
0xa4: {  	_ =	swait.ge [sflag:s22], s20  }
0xa5: {  	s5 =	ssub.s32 $0x0, s20;
	[sflag:s22] =	ssyncset.done $0x0  }
0xa6: {  	[sflag:s22] =	ssyncadd.s32 s5;
	_ =	sdelay $0x1  }
0xa7: {  	s23 =	simm.s32 $0x1B8B  }
0xa8: {  	_ =	swait.ge [sflag:s23], $0x1  }
0xa9: {  	[sflag:s23] =	ssyncset.done $0x0  }
0xaa: {  	s25 =	simm.s32 $0x1B8E;
	s24 =	sld [smem:$0x3FFE];
	[sflag:s23] =	ssyncadd.s32 $0xFFFFFFFF  }
0xab: {  	s26 =	simm.s32 $execute0_lowered;
	[smem:$0x3FD2] =	sst s25  }
0xac: {  	s6 =	sshll.u32 s26, $0x1;
	_ =	strace $0x80000046;
	[dreg:$0x1] =	wrdreg $0xFFFFFFFF  }
0xad: {  	s28 =	simm.s32 $_size_execute0_lowered;
	s4 =	sadd.s32 s4, s6;
	[dreg:$0x0] =	wrdreg $0x0  }
0xae: {  	s6 =	sshll.u32 s28, $0x1;
	[dreg:$0x2] =	wrdreg s4  }
0xaf: {  	[dreg:$0x3] =	wrdreg s6  }
0xb0: {  	[dreg:$0x4] =	wrdreg $0xC0  }
0xb1: {  	_ =	task [dreg:s8], $0x5FFFF  }
0xb2: {  	[dreg:$0x1] =	wrdreg $0xFFFFFFFF  }
0xb3: {  	[dreg:$0x0] =	wrdreg $0x60  }
0xb4: {  	[dreg:$0x2] =	wrdreg s15  }
0xb5: {  	[dreg:$0x3] =	wrdreg s16  }
0xb6: {  	[dreg:$0x4] =	wrdreg s24  }
0xb7: {  	[dreg:$0x5] =	wrdreg $0x9  }
0xb8: {  	_ =	task.clear_ibuf [dreg:s8], $0x6FFFF;
	_ =	strace $0x90000046  }
0xb9: {  	s29 =	simm.s32 $0x9;
	_ =	strace $0x80000048  }
0xba: {  	_ =	swait.ge [sflag:s29], $0x1  }
0xbb: {  	[sflag:s29] =	ssyncadd.s32 $0xFFFFFFFF  }
0xbc: {  	_ =	strace $0x90000048  }
0xbd: {  	_ =	sfence  }
0xbe: {  	s30 =	sld [smem:$0x0];
	_ =	sdelay $0x2  }
0xbf: {  	s31 =	sshll.u32 s1, $0xD;
	s1 =	sshrl.u32 s1, $0x2  }
0xc0: {  	s3 =	sand.u32 $0x4000, s31;
	s1 =	sadd.s32 s1, s30  }
0xc1: {  	s0 =	sor.u32 s3, s0;
	s1 =	sshll.u32 s1, $0x11  }
0xc2: {  	s0 =	sor.u32 s1, s0  }
0xc3: {  	s0 =	sadd.s32 $0x8F2B, s0  }
0xc4: {  	[sflag:s0] =	ssyncadd.remote.s32 $0x1  }
0xc5: {  	_ =	sfence.sel $0xFFFF  }
0xc6: {  	[dreg:$0x0] =	wrdreg $0xFFFFFFFF;
	(pc) =	sbr.abs _section_cstart, $3  }
0xc7: {  	[dreg:$0x1] =	wrdreg $0xFFFFFFFF  }
0xc8: {  	_ =	task.clear_ibuf [dreg:s8], $0x2FFFF;
	_ =	strace $0x9FFFFFFF  }
0xc9: {  	(tm) =	ssettm $0x7FFFFFFF  }
tec
execute0_lowered:
.L_overlay_start_1:
0x0: {  	(tag) =	ssettag $0x1  }
0x1: {  	s1 =	rddreg [dreg:$0x0]  }
0x2: {  	s4 =	rddreg [dreg:$0x1]  }
0x3: {  	s5 =	rddreg [dreg:$0x2];
	s3 =	simm.s32 $0x0  }
0x4: {  	s11 =	simm.s32 $0x880;
	[smem:$0x7FF] =	sst s3  }
0x5: {  	s12 =	simm.s32 $0x1080;
	_ =	strace $0x80000047;
	[dreg:$0x9] =	wrdreg s11  }
0x6: {  	s13 =	simm.s32 $0x1880;
	[dreg:$0xa] =	wrdreg s12  }
0x7: {  	s14 =	simm.s32 $0x2080;
	[dreg:$0xb] =	wrdreg s13  }
0x8: {  	s15 =	simm.s32 $0x2880;
	[dreg:$0xc] =	wrdreg s14  }
0x9: {  	s16 =	simm.s32 $0x3080;
	[dreg:$0xd] =	wrdreg s15  }
0xa: {  	s17 =	simm.s32 $0x3880;
	[dreg:$0xe] =	wrdreg s16  }
0xb: {  	s2 =	srdreg.scid;
	s18 =	simm.s32 $0x4880;
	[dreg:$0xf] =	wrdreg s17  }
0xc: {  	s0 =	stileid.u32;
	s20 =	simm.s32 $0x5080;
	[dreg:$0x10] =	wrdreg s18  }
0xd: {  	s21 =	simm.s32 $0x5880;
	s22 =	simm.s32 $0x6080;
	[dreg:$0x11] =	wrdreg s20  }
0xe: {  	s23 =	simm.s32 $0x6880;
	s24 =	simm.s32 $0x7080;
	[dreg:$0x12] =	wrdreg s21  }
0xf: {  	s25 =	simm.s32 $0x7880;
	s26 =	simm.s32 $0x8880;
	[dreg:$0x13] =	wrdreg s22  }
0x10: {  	s28 =	simm.s32 $0x4;
	s29 =	simm.s32 $0x5;
	[dreg:$0x14] =	wrdreg s23  }
0x11: {  	s30 =	simm.s32 $0x6;
	s31 =	simm.s32 $0x7;
	[dreg:$0x15] =	wrdreg s24  }
0x12: {  	s2 =	sand.u32 $0x1, s2;
	s6 =	sshll.u32 s0, $0x8;
	[dreg:$0x16] =	wrdreg s25  }
0x13: {  	s7 =	sshll.u32 s2, $0x7;
	s2 =	ssub.s32 $0x2, s2;
	[dreg:$0x17] =	wrdreg s26  }
0x14: {  	s11 =	simm.s32 $0x9880;
	s12 =	simm.s32 $0xA080;
	s13 =	simm.s32 $0xA880  }
0x15: {  	s14 =	simm.s32 $0xB080;
	s15 =	simm.s32 $0xB880;
	s16 =	simm.s32 $0xC080  }
0x16: {  	s17 =	simm.s32 $0xC880;
	s18 =	simm.s32 $0xD080;
	s20 =	simm.s32 $0xE080  }
0x17: {  	s21 =	simm.s32 $0xE880;
	s22 =	simm.s32 $0xF080;
	s23 =	simm.s32 $0xF880  }
0x18: {  	s24 =	simm.s32 $0x1;
	s25 =	simm.s32 $0x2;
	s6 =	sor.u32 s7, s6  }
0x19: {  	s26 =	simm.s32 $0x3;
	s7 =	sshll.u32 s6, $0x6;
	s6 =	sshrl.u32 s6, $0x3  }
0x1a: {  	s19 =	sshrl.u32 s2, $0x1;
	s5 =	sadd.s32 s7, s5;
	s4 =	sadd.s32 s4, s6  }
0x1b: {  	s2 =	ssub.s32 s2, s19;
	[dreg:$0x4] =	wrdreg s4;
	s7 =	sadd.s32 $0x1C00, s5  }
0x1c: {  	s19 =	simm.s32 $0xD880;
	s8 =	sadd.s32 $0x2400, s5;
	[dreg:$0x5] =	wrdreg s7  }
0x1d: {  	s6 =	simm.s32 $0x9;
	s9 =	sadd.s32 $0x2C00, s5;
	[dreg:$0x6] =	wrdreg s8  }
0x1e: {  	v2 =	vlaneseq.u32;
	s10 =	sadd.s32 $0x3400, s5;
	s4 =	sadd.s32 $0x100, s1;
	[dreg:$0x7] =	wrdreg s9  }
0x1f: {  	vm0 =	vmmov $0xffff;
	v1 =	vshrl.u32 v2, $0x3;
	s5 =	smax.u32 s2, $0x1;
	s2 =	simm.s32 $0x8;
	[dreg:$0x8] =	wrdreg s10  }
0x20: {  	v0 =	vand.u32 $0x7, v2;
	v2 =	vor.u32 $0x8, v2;
	v1 =	vmul.u32 $0x8, v1;
	s7 =	simm.s32 $0x80;
	s8 =	simm.s32 $0x4080;
	s9 =	simm.s32 $0x8080  }
.LBB2_1:
0x21: {  	s0 =	rddreg [dreg:$0x4]  }
0x22: {  	[tilespmem:s3], [sflag:$0x9] =	stream.linear.gather [hbm4b:s0+s3], $0x80, $0x38;
	[tilespmem:$0x10080] =	vst v63  }
0x23: {  	_ =	swait.ge [sflag:s6], $0x80  }
0x24: {  	[sflag:s6] =	ssyncset.done $0x0  }
0x25: {  	[sflag:s6] =	ssyncadd.s32 $0xFFFFFF80  }
0x26: {  	v3 =	vld [tilespmem:$0x0];
	_ =	sdelay $0x4  }
0x27: {  	v4 =	vshll.u32 v3, $0x2  }
0x28: {  	v3 =	vand.u32 $0x7, v3;
	v4 =	vand.u32 $0xFFFFFFE0, v4  }
0x29: {  	v3 =	vor.u32 v3, v4  }
0x2a: {  	v4 =	vperm.xlane v3, v0;
	_ =	sdelay $0x1  }
0x2b: {  	v4 =	vadd.s32 v1, v4;
	_ =	sdelay $0x1  }
0x2c: {  	v3 =	vperm.xlane v3, v2;
	_ =	sdelay $0x1  }
0x2d: {  	v3 =	vadd.s32 v1, v3  }
0x2e: {  	[tilespmem:s7], [sflag:$0x1] =	stream.indirect_vreg.gather [hbm4b:s1+s3], $0x80, v4, vm0, $0xb8;
	[tilespmem:$0x10080] =	vst v63  }
0x2f: {  	s0 =	rddreg [dreg:$0x9]  }
0x30: {  	[tilespmem:s0], [sflag:$0x1] =	stream.indirect_vreg.gather [hbm4b:s4+s3], $0x80, v4, vm0, $0xb8;
	[tilespmem:$0x10080] =	vst v63  }
0x31: {  	s10 =	rddreg [dreg:$0xa]  }
0x32: {  	[tilespmem:s10], [sflag:$0x1] =	stream.indirect_vreg.gather [hbm4b:s1+s3], $0x80, v3, vm0, $0xb8;
	[tilespmem:$0x10080] =	vst v63  }
0x33: {  	s0 =	rddreg [dreg:$0xb]  }
0x34: {  	[tilespmem:s0], [sflag:$0x1] =	stream.indirect_vreg.gather [hbm4b:s4+s3], $0x80, v3, vm0, $0xb8;
	[tilespmem:$0x10080] =	vst v63  }
0x35: {  	v3 =	vld [tilespmem:$0x10];
	_ =	sdelay $0x4  }
0x36: {  	v57 =	vshll.u32 v3, $0x2  }
0x37: {  	v3 =	vand.u32 $0x7, v3;
	v4 =	vand.u32 $0xFFFFFFE0, v57  }
0x38: {  	v3 =	vor.u32 v3, v4  }
0x39: {  	v4 =	vperm.xlane v3, v0;
	_ =	sdelay $0x1  }
0x3a: {  	v4 =	vadd.s32 v1, v4;
	_ =	sdelay $0x1  }
0x3b: {  	v3 =	vperm.xlane v3, v2;
	_ =	sdelay $0x1  }
0x3c: {  	s0 =	rddreg [dreg:$0xc];
	v3 =	vadd.s32 v1, v3  }
0x3d: {  	[tilespmem:s0], [sflag:$0x1] =	stream.indirect_vreg.gather [hbm4b:s1+s3], $0x80, v4, vm0, $0xb8;
	[tilespmem:$0x10080] =	vst v63  }
0x3e: {  	s10 =	rddreg [dreg:$0xd]  }
0x3f: {  	[tilespmem:s10], [sflag:$0x1] =	stream.indirect_vreg.gather [hbm4b:s4+s3], $0x80, v4, vm0, $0xb8;
	[tilespmem:$0x10080] =	vst v63  }
0x40: {  	s0 =	rddreg [dreg:$0xe]  }
0x41: {  	[tilespmem:s0], [sflag:$0x1] =	stream.indirect_vreg.gather [hbm4b:s1+s3], $0x80, v3, vm0, $0xb8;
	[tilespmem:$0x10080] =	vst v63  }
0x42: {  	s10 =	rddreg [dreg:$0xf]  }
0x43: {  	[tilespmem:s10], [sflag:$0x1] =	stream.indirect_vreg.gather [hbm4b:s4+s3], $0x80, v3, vm0, $0xb8;
	[tilespmem:$0x10080] =	vst v63  }
0x44: {  	v3 =	vld [tilespmem:$0x20];
	_ =	sdelay $0x4  }
0x45: {  	v58 =	vshll.u32 v3, $0x2  }
0x46: {  	v3 =	vand.u32 $0x7, v3;
	v4 =	vand.u32 $0xFFFFFFE0, v58  }
0x47: {  	v3 =	vor.u32 v3, v4  }
0x48: {  	v4 =	vperm.xlane v3, v0;
	_ =	sdelay $0x1  }
0x49: {  	v4 =	vadd.s32 v1, v4;
	_ =	sdelay $0x1  }
0x4a: {  	v3 =	vperm.xlane v3, v2;
	_ =	sdelay $0x1  }
0x4b: {  	v3 =	vadd.s32 v1, v3  }
0x4c: {  	[tilespmem:s8], [sflag:$0x2] =	stream.indirect_vreg.gather [hbm4b:s1+s3], $0x80, v4, vm0, $0xb8;
	[tilespmem:$0x10080] =	vst v63  }
0x4d: {  	s0 =	rddreg [dreg:$0x10]  }
0x4e: {  	[tilespmem:s0], [sflag:$0x2] =	stream.indirect_vreg.gather [hbm4b:s4+s3], $0x80, v4, vm0, $0xb8;
	[tilespmem:$0x10080] =	vst v63  }
0x4f: {  	s10 =	rddreg [dreg:$0x11]  }
0x50: {  	[tilespmem:s10], [sflag:$0x2] =	stream.indirect_vreg.gather [hbm4b:s1+s3], $0x80, v3, vm0, $0xb8;
	[tilespmem:$0x10080] =	vst v63  }
0x51: {  	s0 =	rddreg [dreg:$0x12]  }
0x52: {  	[tilespmem:s0], [sflag:$0x2] =	stream.indirect_vreg.gather [hbm4b:s4+s3], $0x80, v3, vm0, $0xb8;
	[tilespmem:$0x10080] =	vst v63  }
0x53: {  	v3 =	vld [tilespmem:$0x30];
	_ =	sdelay $0x4  }
0x54: {  	v59 =	vshll.u32 v3, $0x2  }
0x55: {  	v3 =	vand.u32 $0x7, v3;
	v4 =	vand.u32 $0xFFFFFFE0, v59  }
0x56: {  	v3 =	vor.u32 v3, v4  }
0x57: {  	v4 =	vperm.xlane v3, v0;
	_ =	sdelay $0x1  }
0x58: {  	v4 =	vadd.s32 v1, v4;
	_ =	sdelay $0x1  }
0x59: {  	v3 =	vperm.xlane v3, v2;
	_ =	sdelay $0x1  }
0x5a: {  	s0 =	rddreg [dreg:$0x13];
	v3 =	vadd.s32 v1, v3  }
0x5b: {  	[tilespmem:s0], [sflag:$0x2] =	stream.indirect_vreg.gather [hbm4b:s1+s3], $0x80, v4, vm0, $0xb8;
	[tilespmem:$0x10080] =	vst v63  }
0x5c: {  	s10 =	rddreg [dreg:$0x14]  }
0x5d: {  	[tilespmem:s10], [sflag:$0x2] =	stream.indirect_vreg.gather [hbm4b:s4+s3], $0x80, v4, vm0, $0xb8;
	[tilespmem:$0x10080] =	vst v63  }
0x5e: {  	s0 =	rddreg [dreg:$0x15]  }
0x5f: {  	[tilespmem:s0], [sflag:$0x2] =	stream.indirect_vreg.gather [hbm4b:s1+s3], $0x80, v3, vm0, $0xb8;
	[tilespmem:$0x10080] =	vst v63  }
0x60: {  	s10 =	rddreg [dreg:$0x16]  }
0x61: {  	[tilespmem:s10], [sflag:$0x2] =	stream.indirect_vreg.gather [hbm4b:s4+s3], $0x80, v3, vm0, $0xb8;
	[tilespmem:$0x10080] =	vst v63  }
0x62: {  	v3 =	vld [tilespmem:$0x40];
	_ =	sdelay $0x4  }
0x63: {  	v60 =	vshll.u32 v3, $0x2  }
0x64: {  	v3 =	vand.u32 $0x7, v3;
	v4 =	vand.u32 $0xFFFFFFE0, v60  }
0x65: {  	v3 =	vor.u32 v3, v4  }
0x66: {  	v4 =	vperm.xlane v3, v0;
	_ =	sdelay $0x1  }
0x67: {  	v4 =	vadd.s32 v1, v4;
	_ =	sdelay $0x1  }
0x68: {  	v3 =	vperm.xlane v3, v2;
	_ =	sdelay $0x1  }
0x69: {  	v3 =	vadd.s32 v1, v3  }
0x6a: {  	[tilespmem:s9], [sflag:$0x3] =	stream.indirect_vreg.gather [hbm4b:s1+s3], $0x80, v4, vm0, $0xb8;
	[tilespmem:$0x10080] =	vst v63  }
0x6b: {  	s10 =	rddreg [dreg:$0x17]  }
0x6c: {  	[tilespmem:s10], [sflag:$0x3] =	stream.indirect_vreg.gather [hbm4b:s4+s3], $0x80, v4, vm0, $0xb8;
	[tilespmem:$0x10080] =	vst v63  }
0x6d: {  	s10 =	simm.s32 $0x9080  }
0x6e: {  	[tilespmem:s10], [sflag:$0x3] =	stream.indirect_vreg.gather [hbm4b:s1+s3], $0x80, v3, vm0, $0xb8;
	[tilespmem:$0x10080] =	vst v63  }
0x6f: {  	_ = 	snop  }
0x70: {  	[tilespmem:s11], [sflag:$0x3] =	stream.indirect_vreg.gather [hbm4b:s4+s3], $0x80, v3, vm0, $0xb8;
	[tilespmem:$0x10080] =	vst v63  }
0x71: {  	v3 =	vld [tilespmem:$0x50];
	_ =	sdelay $0x4  }
0x72: {  	v61 =	vshll.u32 v3, $0x2  }
0x73: {  	v3 =	vand.u32 $0x7, v3;
	v4 =	vand.u32 $0xFFFFFFE0, v61  }
0x74: {  	v3 =	vor.u32 v3, v4  }
0x75: {  	v4 =	vperm.xlane v3, v0;
	_ =	sdelay $0x1  }
0x76: {  	v4 =	vadd.s32 v1, v4;
	_ =	sdelay $0x1  }
0x77: {  	v3 =	vperm.xlane v3, v2;
	_ =	sdelay $0x1  }
0x78: {  	v3 =	vadd.s32 v1, v3  }
0x79: {  	[tilespmem:s12], [sflag:$0x3] =	stream.indirect_vreg.gather [hbm4b:s1+s3], $0x80, v4, vm0, $0xb8;
	[tilespmem:$0x10080] =	vst v63  }
0x7a: {  	_ = 	snop  }
0x7b: {  	[tilespmem:s13], [sflag:$0x3] =	stream.indirect_vreg.gather [hbm4b:s4+s3], $0x80, v4, vm0, $0xb8;
	[tilespmem:$0x10080] =	vst v63  }
0x7c: {  	_ = 	snop  }
0x7d: {  	[tilespmem:s14], [sflag:$0x3] =	stream.indirect_vreg.gather [hbm4b:s1+s3], $0x80, v3, vm0, $0xb8;
	[tilespmem:$0x10080] =	vst v63  }
0x7e: {  	_ = 	snop  }
0x7f: {  	[tilespmem:s15], [sflag:$0x3] =	stream.indirect_vreg.gather [hbm4b:s4+s3], $0x80, v3, vm0, $0xb8;
	[tilespmem:$0x10080] =	vst v63  }
0x80: {  	v3 =	vld [tilespmem:$0x60];
	_ =	sdelay $0x4  }
0x81: {  	v62 =	vshll.u32 v3, $0x2  }
0x82: {  	v3 =	vand.u32 $0x7, v3;
	v4 =	vand.u32 $0xFFFFFFE0, v62  }
0x83: {  	v3 =	vor.u32 v3, v4  }
0x84: {  	v4 =	vperm.xlane v3, v0;
	_ =	sdelay $0x1  }
0x85: {  	v4 =	vadd.s32 v1, v4;
	_ =	sdelay $0x1  }
0x86: {  	v3 =	vperm.xlane v3, v2;
	_ =	sdelay $0x1  }
0x87: {  	v3 =	vadd.s32 v1, v3  }
0x88: {  	[tilespmem:s16], [sflag:$0x4] =	stream.indirect_vreg.gather [hbm4b:s1+s3], $0x80, v4, vm0, $0xb8;
	[tilespmem:$0x10080] =	vst v63  }
0x89: {  	_ = 	snop  }
0x8a: {  	[tilespmem:s17], [sflag:$0x4] =	stream.indirect_vreg.gather [hbm4b:s4+s3], $0x80, v4, vm0, $0xb8;
	[tilespmem:$0x10080] =	vst v63  }
0x8b: {  	_ = 	snop  }
0x8c: {  	[tilespmem:s18], [sflag:$0x4] =	stream.indirect_vreg.gather [hbm4b:s1+s3], $0x80, v3, vm0, $0xb8;
	[tilespmem:$0x10080] =	vst v63  }
0x8d: {  	_ = 	snop  }
0x8e: {  	[tilespmem:s19], [sflag:$0x4] =	stream.indirect_vreg.gather [hbm4b:s4+s3], $0x80, v3, vm0, $0xb8;
	[tilespmem:$0x10080] =	vst v63  }
0x8f: {  	v3 =	vld [tilespmem:$0x70];
	_ =	sdelay $0x4  }
0x90: {  	v63 =	vshll.u32 v3, $0x2  }
0x91: {  	v3 =	vand.u32 $0x7, v3;
	v4 =	vand.u32 $0xFFFFFFE0, v63  }
0x92: {  	v3 =	vor.u32 v3, v4  }
0x93: {  	v4 =	vperm.xlane v3, v0;
	_ =	sdelay $0x1  }
0x94: {  	v4 =	vadd.s32 v1, v4;
	_ =	sdelay $0x1  }
0x95: {  	v3 =	vperm.xlane v3, v2;
	_ =	sdelay $0x1  }
0x96: {  	v3 =	vadd.s32 v1, v3  }
0x97: {  	[tilespmem:s20], [sflag:$0x4] =	stream.indirect_vreg.gather [hbm4b:s1+s3], $0x80, v4, vm0, $0xb8;
	[tilespmem:$0x10080] =	vst v63  }
0x98: {  	_ = 	snop  }
0x99: {  	[tilespmem:s21], [sflag:$0x4] =	stream.indirect_vreg.gather [hbm4b:s4+s3], $0x80, v4, vm0, $0xb8;
	[tilespmem:$0x10080] =	vst v63  }
0x9a: {  	_ = 	snop  }
0x9b: {  	[tilespmem:s22], [sflag:$0x4] =	stream.indirect_vreg.gather [hbm4b:s1+s3], $0x80, v3, vm0, $0xb8;
	[tilespmem:$0x10080] =	vst v63  }
0x9c: {  	_ = 	snop  }
0x9d: {  	[tilespmem:s23], [sflag:$0x4] =	stream.indirect_vreg.gather [hbm4b:s4+s3], $0x80, v3, vm0, $0xb8;
	[tilespmem:$0x10080] =	vst v63  }
0x9e: {  	_ =	swait.ge [sflag:s24], $0x4000  }
0x9f: {  	[sflag:s24] =	ssyncset.done $0x0  }
0xa0: {  	s10 =	rddreg [dreg:$0x5];
	[sflag:s24] =	ssyncadd.s32 $0xFFFFC000  }
0xa1: {  	[hbm4b:s10+s3] =	stream.linear.scatter [tilespmem:s7], [sflag:$0x5], $0x4000, $0x38;
	[tilespmem:$0x10080] =	vst v63  }
0xa2: {  	_ =	swait.ge [sflag:s25], $0x4000  }
0xa3: {  	[sflag:s25] =	ssyncset.done $0x0  }
0xa4: {  	s10 =	rddreg [dreg:$0x6];
	[sflag:s25] =	ssyncadd.s32 $0xFFFFC000  }
0xa5: {  	[hbm4b:s10+s3] =	stream.linear.scatter [tilespmem:s8], [sflag:$0x6], $0x4000, $0x38;
	[tilespmem:$0x10080] =	vst v63  }
0xa6: {  	_ =	swait.ge [sflag:s26], $0x4000  }
0xa7: {  	[sflag:s26] =	ssyncset.done $0x0  }
0xa8: {  	s10 =	rddreg [dreg:$0x7];
	[sflag:s26] =	ssyncadd.s32 $0xFFFFC000  }
0xa9: {  	[hbm4b:s10+s3] =	stream.linear.scatter [tilespmem:s9], [sflag:$0x7], $0x4000, $0x38;
	[tilespmem:$0x10080] =	vst v63  }
0xaa: {  	_ =	swait.ge [sflag:s28], $0x4000  }
0xab: {  	[sflag:s28] =	ssyncset.done $0x0  }
0xac: {  	s10 =	rddreg [dreg:$0x8];
	[sflag:s28] =	ssyncadd.s32 $0xFFFFC000  }
0xad: {  	[hbm4b:s10+s3] =	stream.linear.scatter [tilespmem:s16], [sflag:$0x8], $0x4000, $0x38;
	[tilespmem:$0x10080] =	vst v63  }
0xae: {  	_ =	swait.ge [sflag:s29], $0x4000  }
0xaf: {  	[sflag:s29] =	ssyncset.done $0x0  }
0xb0: {  	[sflag:s29] =	ssyncadd.s32 $0xFFFFC000  }
0xb1: {  	_ =	swait.ge [sflag:s30], $0x4000  }
0xb2: {  	[sflag:s30] =	ssyncset.done $0x0  }
0xb3: {  	[sflag:s30] =	ssyncadd.s32 $0xFFFFC000  }
0xb4: {  	p0 =	sne.s32 s5, $0x1;
	_ =	swait.ge [sflag:s31], $0x4000  }
.Ltmp0:
0xb5: {  	[sflag:s31] =	ssyncset.done $0x0;
	(pc) =	sbr.rel @p0 .LBB2_1-.Ltmp0, $4  }
0xb6: {  	[sflag:s31] =	ssyncadd.s32 $0xFFFFC000  }
0xb7: {  	_ =	swait.ge [sflag:s2], $0x4000  }
0xb8: {  	[sflag:s2] =	ssyncset.done $0x0  }
0xb9: {  	s5 =	sadd.s32 $0xFFFFFFFF, s5;
	[sflag:s2] =	ssyncadd.s32 $0xFFFFC000  }
0xba: {  	_ =	sfence.sel $0x180000  }
0xbb: {  	[bflag:$0x0] =	sbarrier.arrive $0xFFFF  }
0xbc: {  	_ =	strace $0x90000047  }
0xbd: {  	s0 =	stileid.u32;
	[bflag:$0x2] =	sbarrier.arrive $0xFFFF  }
0xbe: {  	p0 =	sne.s32 s0, $0x0;
	s0 =	rddreg [dreg:$0x3]  }
0xbf: {  	s0 =	sadd.s32 @!p0 $0x100000, s0  }
0xc0: {  	[sflag:s0] =	ssyncadd.tile.s32 @!p0 $0x1;
	_ =	shalt  }
.Lfunc_end2:
_tile_overlayer_lowered:
.L_overlay_start_2:
0xc1: {  	(tag) =	ssettag $0x2  }
0xc2: {  	s0 =	rddreg [dreg:$0x0];
	s2 =	stileid.u32  }
0xc3: {  	s1 =	rddreg [dreg:$0x1];
	p0 =	sne.s32 s2, $0x0  }
0xc4: {  	s3 =	rddreg [dreg:$0x2];
	[bflag:$0x3] =	sbarrier.arrive $0xFFFF;
	s2 =	simm.s32 @!p0 $0x1C09  }
0xc5: {  	[timem:s3], [sflag:s2] =	dma.local @!p0 [hbm:s0], s1  }
0xc6: {  	s0 =	simm.s32 @!p0 $0x9  }
0xc7: {  	_ =	swait.ge @!p0 [sflag:s0], s1  }
0xc8: {  	s1 =	ssub.s32 @!p0 $0x0, s1;
	[sflag:s0] =	ssyncset.done @!p0 $0x0  }
0xc9: {  	[sflag:s0] =	ssyncadd.s32 @!p0 s1  }
0xca: {  	[bflag:$0x3] =	sbarrier.arrive $0xFFFF  }
0xcb: {  	_ =	shalt  }

</sc_bundles>
